<compile_context>
chip_gen: v7x
topology: tpu7x:2x2x1
jax: 0.10.2.dev20260603
libtpu: 0.0.44.dev20260713+nightly
codegen_flags: <defaults>
</compile_context>

<pallas_src>
import jax
import jax.numpy as jnp
from jax import lax
from jax.experimental import pallas as pl
from jax.experimental.pallas import tpu as pltpu
from jax.experimental.pallas import tpu_sc as plsc

N = 10000
E = 320000
D = 128
D_OUT = 64

NC = 2
NS = 16
NW = NC * NS

EPW = E // NW
C = 80
NCHUNK = EPW // C

NP = 10240
RPT = NP // NS
RPT_D = RPT


HR = NP // 128


def _sc_deg_body(ei_hbm, out_hbm, didx_all, rowidx, zrows, hist, acc):
    c = lax.axis_index("c")
    s = lax.axis_index("s")
    wid = c * NS + s
    ebase = wid * EPW
    zero16 = jnp.zeros((16,), jnp.float32)
    one16 = jnp.ones((16,), jnp.float32)

    def zhist(i, carry):
        hist[i // 8, pl.ds((i % 8) * 16, 16)] = zero16
        return carry

    lax.fori_loop(0, HR * 8, zhist, 0)

    for j in range(HR // 16):
        rowidx[pl.ds(j * 16, 16)] = lax.iota(jnp.int32, 16) + j * 16

    @pl.when(s < 5)
    def _():
        def zr(i, carry):
            zrows[i // 8, pl.ds((i % 8) * 16, 16)] = zero16
            return carry
        lax.fori_loop(0, 16 * 8, zr, 0)
        pltpu.sync_copy(zrows, acc.at[pl.ds(s * 16, 16)])
    plsc.subcore_barrier()

    pltpu.sync_copy(ei_hbm.at[pl.ds(E + ebase, EPW)], didx_all)

    def step(j, carry):
        for k in range(4):
            idx = didx_all[pl.ds(j * 64 + k * 16, 16)]
            r = jax.lax.shift_right_logical(idx, 7)
            l = jax.lax.bitwise_and(idx, 127)
            plsc.addupdate_scatter(hist, [r, l], one16)
        return carry

    lax.fori_loop(0, EPW // 64, step, 0)

    for t in range((EPW % 64) // 16):
        idx = didx_all[pl.ds((EPW // 64) * 64 + t * 16, 16)]
        r = jax.lax.shift_right_logical(idx, 7)
        l = jax.lax.bitwise_and(idx, 127)
        plsc.addupdate_scatter(hist, [r, l], one16)

    pltpu.sync_copy(hist, acc.at[rowidx], add=True)
    plsc.subcore_barrier()

    @pl.when(s < 5)
    def _():
        pltpu.sync_copy(acc.at[pl.ds(s * 16, 16)],
                        out_hbm.at[c, pl.ds(s * 16, 16)])


@jax.jit
def _sc_deg(ei_flat):
    return pl.kernel(
        _sc_deg_body,
        out_type=jax.ShapeDtypeStruct((NC, HR, 128), jnp.float32),
        mesh=plsc.VectorSubcoreMesh(core_axis_name="c", subcore_axis_name="s"),
        scratch_types=[
            pltpu.VMEM((EPW,), jnp.int32),
            pltpu.VMEM((HR,), jnp.int32),
            pltpu.VMEM((16, 128), jnp.float32),
            pltpu.VMEM((HR, 128), jnp.float32),
            pltpu.VMEM_SHARED((HR, 128), jnp.float32),
        ],
        compiler_params=pltpu.CompilerParams(needs_layout_passes=False),
    )(ei_flat)


def _sc_agg_body(g_hbm, ei_hbm, zeros_hbm, out_hbm,
                 sidx_all, didx0, didx1, didx2, rows0, rows1, rows2,
                 acc, gsem0, gsem1, gsem2, isem0, isem1, isem2):
    c = lax.axis_index("c")
    s = lax.axis_index("s")
    wid = c * NS + s
    ebase = wid * EPW

    didx = (didx0, didx1, didx2)
    rows = (rows0, rows1, rows2)
    gsem = (gsem0, gsem1, gsem2)
    isem = (isem0, isem1, isem2)

    pltpu.sync_copy(zeros_hbm.at[pl.ds(s * RPT, RPT)],
                    acc.at[pl.ds(s * RPT, RPT)])
    pltpu.sync_copy(ei_hbm.at[pl.ds(ebase, EPW)], sidx_all)
    plsc.subcore_barrier()

    def start(j, k):
        pltpu.async_copy(ei_hbm.at[pl.ds(E + ebase + j * C, C)], didx[k],
                         isem[k])
        pltpu.async_copy(g_hbm.at[sidx_all.at[pl.ds(j * C, C)]], rows[k],
                         gsem[k])

    def finish(j, k):
        pltpu.make_async_copy(g_hbm.at[sidx_all.at[pl.ds(j * C, C)]],
                              rows[k], gsem[k]).wait()
        pltpu.make_async_copy(ei_hbm.at[pl.ds(E + ebase + j * C, C)], didx[k],
                              isem[k]).wait()
        pltpu.sync_copy(rows[k], acc.at[didx[k]], add=True)

    start(0, 0)
    start(1, 1)

    def triple(i, carry):
        j = 3 * i
        for k in range(3):
            start(j + k + 2, (k + 2) % 3)
            finish(j + k, k)
        return carry

    lax.fori_loop(0, (NCHUNK - 2) // 3, triple, 0)
    finish(NCHUNK - 2, (NCHUNK - 2) % 3)
    finish(NCHUNK - 1, (NCHUNK - 1) % 3)
    plsc.subcore_barrier()

    pltpu.sync_copy(acc.at[pl.ds(s * RPT, RPT)],
                    out_hbm.at[c, pl.ds(s * RPT, RPT)])


@jax.jit
def _sc_agg(g, ei_flat, zeros_nd):
    return pl.kernel(
        _sc_agg_body,
        out_type=jax.ShapeDtypeStruct((NC, NP, D), jnp.float32),
        mesh=plsc.VectorSubcoreMesh(core_axis_name="c", subcore_axis_name="s"),
        scratch_types=[
            pltpu.VMEM((EPW,), jnp.int32),
            pltpu.VMEM((C,), jnp.int32),
            pltpu.VMEM((C,), jnp.int32),
            pltpu.VMEM((C,), jnp.int32),
            pltpu.VMEM((C, D), jnp.float32),
            pltpu.VMEM((C, D), jnp.float32),
            pltpu.VMEM((C, D), jnp.float32),
            pltpu.VMEM_SHARED((NP, D), jnp.float32),
            pltpu.SemaphoreType.DMA,
            pltpu.SemaphoreType.DMA,
            pltpu.SemaphoreType.DMA,
            pltpu.SemaphoreType.DMA,
            pltpu.SemaphoreType.DMA,
            pltpu.SemaphoreType.DMA,
        ],
    )(g, ei_flat, zeros_nd)


def _tc0_body(degp_ref, dinv2_ref):
    dinv2_ref[...] = lax.rsqrt(degp_ref[0] + degp_ref[1] + 1.0)


@jax.jit
def _tc0(degp):
    return pl.pallas_call(
        _tc0_body,
        out_shape=jax.ShapeDtypeStruct((HR, 128), jnp.float32),
    )(degp)


def _tc1_body(dinv_ref, x_ref, w_ref, g_ref):
    h = jnp.dot(x_ref[...], w_ref[...], preferred_element_type=jnp.float32)
    g_ref[...] = dinv_ref[:N] * h


@jax.jit
def _tc1(dinv, x, w1):
    return pl.pallas_call(
        _tc1_body,
        out_shape=jax.ShapeDtypeStruct((N, D), jnp.float32),
    )(dinv, x, w1)


def _tc2_body(p_ref, g_ref, dinv_ref, b_ref, w_ref, g2_ref):
    dinv = dinv_ref[:N]
    ssum = (p_ref[0] + p_ref[1])[:N] + g_ref[...]
    h = jnp.maximum(dinv * ssum + b_ref[...], 0.0)
    hw = jnp.dot(h, w_ref[...], preferred_element_type=jnp.float32)
    g2_ref[...] = dinv * hw


@jax.jit
def _tc2(p, g, dinv, b, w2):
    return pl.pallas_call(
        _tc2_body,
        out_shape=jax.ShapeDtypeStruct((N, D), jnp.float32),
    )(p, g, dinv, b, w2)


def _tc3_body(p_ref, g_ref, dinv_ref, b_ref, wr1_ref, br1_ref, wr2_ref,
              br2_ref, o_ref):
    dinv = dinv_ref[:N]
    ssum = (p_ref[0] + p_ref[1])[:N] + g_ref[...]
    h = jnp.maximum(dinv * ssum + b_ref[...], 0.0)
    t = jnp.maximum(
        jnp.dot(h, wr1_ref[...], preferred_element_type=jnp.float32)
        + br1_ref[...], 0.0)
    o_ref[...] = (
        jnp.dot(t, wr2_ref[...], preferred_element_type=jnp.float32)
        + br2_ref[...])


@jax.jit
def _tc3(p, g, dinv, b, wr1, br1, wr2, br2):
    return pl.pallas_call(
        _tc3_body,
        out_shape=jax.ShapeDtypeStruct((N, D_OUT), jnp.float32),
    )(p, g, dinv, b, wr1, br1, wr2, br2)


@jax.jit
def kernel(x, edge_index, W1, b1, W2, b2, Wr1, br1, Wr2, br2):
    ei_flat = edge_index.reshape(2 * E)
    zeros_nd = jnp.zeros((NP, D), jnp.float32)

    degp = _sc_deg(ei_flat)
    dinv = _tc0(degp).reshape(NP, 1)
    g1 = _tc1(dinv, x, W1)
    p1 = _sc_agg(g1, ei_flat, zeros_nd)
    g2 = _tc2(p1, g1, dinv, b1.reshape(1, D), W2)
    p2 = _sc_agg(g2, ei_flat, zeros_nd)
    out = _tc3(p2, g2, dinv, b2.reshape(1, D), Wr1, br1.reshape(1, -1),
               Wr2, br2.reshape(1, -1))
    return out

# --- scband reference (transcript-rebuilt; emitter-appended) ---
"""Pipeline reference for scband-model-41858751266840 (READ-ONLY COPY).

The authoritative reference and input builder live on the scoring server;
editing this copy changes nothing except your own understanding.
"""

import jax, jax.numpy as jnp
import numpy as np

N = 10000
E = 320000
D_IN = 128
D_H = 128
D_FFN = 128
D_OUT = 64


def _glorot(key, shape):
    fan_in, fan_out = shape[0], shape[1]
    lim = float(np.sqrt(6.0 / (fan_in + fan_out)))
    return jax.random.uniform(key, shape, jnp.float32, -lim, lim)


def setup_inputs(seed: int = 0) -> dict:
    key = jax.random.key(seed)
    ks = jax.random.split(key, 10)
    x = jax.random.normal(ks[0], (N, D_IN), jnp.float32)
    edge_index = jax.random.randint(ks[1], (2, E), 0, N, dtype=jnp.int32)
    W1 = _glorot(ks[2], (D_IN, D_H))
    b1 = jnp.zeros((D_H,), jnp.float32)
    W2 = _glorot(ks[3], (D_H, D_H))
    b2 = jnp.zeros((D_H,), jnp.float32)
    Wr1 = _glorot(ks[4], (D_H, D_FFN))
    br1 = jnp.zeros((D_FFN,), jnp.float32)
    Wr2 = _glorot(ks[5], (D_FFN, D_OUT))
    br2 = jnp.zeros((D_OUT,), jnp.float32)
    return {"x": x, "edge_index": edge_index, "W1": W1, "b1": b1, "W2": W2, "b2": b2,
            "Wr1": Wr1, "br1": br1, "Wr2": Wr2, "br2": br2}


def _gcn_layer(x, edge_index, W, b):
    n = x.shape[0]
    src = edge_index[0]
    dst = edge_index[1]
    # add self loops
    loop = jnp.arange(n, dtype=src.dtype)
    s = jnp.concatenate([src, loop])
    d = jnp.concatenate([dst, loop])
    # symmetric normalization D^{-1/2} (A+I) D^{-1/2}
    deg = jax.ops.segment_sum(jnp.ones_like(d, jnp.float32), d, num_segments=n)
    dinv = jnp.where(deg > 0, jax.lax.rsqrt(deg), 0.0)
    norm = dinv[s] * dinv[d]
    h = x @ W
    msg = h[s] * norm[:, None]
    agg = jnp.zeros((n, W.shape[1]), x.dtype).at[d].add(msg)
    return jax.nn.relu(agg + b)


def reference(x, edge_index, W1, b1, W2, b2, Wr1, br1, Wr2, br2):
    # message passing stack
    h = _gcn_layer(x, edge_index, W1, b1)
    h = _gcn_layer(h, edge_index, W2, b2)
    # readout FFN head (mask=None path)
    h = jax.nn.relu(h @ Wr1 + br1)
    out = h @ Wr2 + br2
    return out

if __name__ == "__main__":
    import jax
    _d = setup_inputs()
    print(jax.jit(kernel)(*tuple(_d.values())))

</pallas_src>

<mosaic_0001>
#map = affine_map<(d0, d1) -> (0)>
#map1 = affine_map<(d0, d1) -> (0, 0, 0)>
module attributes {stable_mosaic.version = 14 : i64} {
  func.func @_sc_deg_body(%arg0: i32, %arg1: i32, %arg2: memref<640000xi32, #tpu.memory_space<hbm>>, %arg3: memref<2x80x128xf32, #tpu.memory_space<hbm>>, %arg4: memref<10000xi32, #tpu.memory_space<vmem>>, %arg5: memref<80xi32, #tpu.memory_space<vmem>>, %arg6: memref<16x128xf32, #tpu.memory_space<vmem>>, %arg7: memref<80x128xf32, #tpu.memory_space<vmem>>, %arg8: memref<80x128xf32, #tpu.memory_space<vmem_shared>>) attributes {dimension_semantics = [#tpu.dimension_semantics<core_parallel>, #tpu.dimension_semantics<subcore_parallel>], iteration_bounds = array<i64: 2, 16>, scalar_prefetch = 0 : i64, scratch_operands = 5 : i64, tpu.core_type = #tpu.core_type<sc_vector_subcore>, window_params = [{transform_indices = #map}, {transform_indices = #map1}]} {
    %mul3A = arith.constant 16 : i32
    %mul3A_0 = arith.muli %arg0, %mul3A : i32
    %add3A = arith.addi %mul3A_0, %arg1 : i32
    %mul3A_1 = arith.constant 10000 : i32
    %mul3A_2 = arith.muli %add3A, %mul3A_1 : i32
    %broadcast_in_dim3A = arith.constant 0.000000e+00 : f32
    %broadcast_in_dim3A_3 = vector.broadcast %broadcast_in_dim3A : f32 to vector<16xf32>
    %broadcast_in_dim3A_4 = arith.constant 1.000000e+00 : f32
    %broadcast_in_dim3A_5 = vector.broadcast %broadcast_in_dim3A_4 : f32 to vector<16xf32>
    %scan3A = arith.constant 0 : i32
    %scan3A_6 = arith.constant 0 : i32
    %scan3A_7 = arith.constant 640 : i32
    %scan3A_8 = arith.addi %scan3A_6, %scan3A_7 : i32
    %scan3A_9 = arith.constant 1 : i32
    scf.for %scan3A_60 = %scan3A_6 to %scan3A_8 step %scan3A_9  : i32 {
      %jit3A = arith.constant 8 : i32
      %div3A = arith.divsi %scan3A_60, %jit3A : i32
      %sign3A = arith.constant 0 : i32
      %sign3A_61 = arith.cmpi sgt, %scan3A_60, %sign3A : i32
      %sign3A_62 = arith.extui %sign3A_61 : i1 to i32
      %sign3A_63 = arith.constant 0 : i32
      %sign3A_64 = arith.cmpi slt, %scan3A_60, %sign3A_63 : i32
      %sign3A_65 = arith.extui %sign3A_64 : i1 to i32
      %sign3A_66 = arith.subi %sign3A_62, %sign3A_65 : i32
      %sign3A_67 = arith.constant 0 : i32
      %sign3A_68 = arith.cmpi sgt, %jit3A, %sign3A_67 : i32
      %sign3A_69 = arith.extui %sign3A_68 : i1 to i32
      %sign3A_70 = arith.constant 0 : i32
      %sign3A_71 = arith.cmpi slt, %jit3A, %sign3A_70 : i32
      %sign3A_72 = arith.extui %sign3A_71 : i1 to i32
      %sign3A_73 = arith.subi %sign3A_69, %sign3A_72 : i32
      %ne3A = arith.cmpi ne, %sign3A_66, %sign3A_73 : i32
      %rem3A = arith.remsi %scan3A_60, %jit3A : i32
      %ne3A_74 = arith.constant 0 : i32
      %ne3A_75 = arith.cmpi ne, %rem3A, %ne3A_74 : i32
      %and3A_76 = arith.andi %ne3A, %ne3A_75 : i1
      %sub3A = arith.constant 1 : i32
      %sub3A_77 = arith.subi %div3A, %sub3A : i32
      %select_n3A = arith.select %and3A_76, %sub3A_77, %div3A : i32
      %jit3A_78 = arith.constant 8 : i32
      %eq3A = arith.constant 0 : i32
      %eq3A_79 = arith.cmpi eq, %jit3A_78, %eq3A : i32
      %jit3A_80 = arith.constant 1 : i32
      %select_n3A_81 = arith.select %eq3A_79, %jit3A_80, %jit3A_78 : i32
      %rem3A_82 = arith.remsi %scan3A_60, %select_n3A_81 : i32
      %ne3A_83 = arith.constant 0 : i32
      %ne3A_84 = arith.cmpi ne, %rem3A_82, %ne3A_83 : i32
      %lt3A_85 = arith.constant 0 : i32
      %lt3A_86 = arith.cmpi slt, %rem3A_82, %lt3A_85 : i32
      %lt3A_87 = arith.constant 0 : i32
      %lt3A_88 = arith.cmpi slt, %select_n3A_81, %lt3A_87 : i32
      %ne3A_89 = arith.xori %lt3A_86, %lt3A_88 : i1
      %and3A_90 = arith.andi %ne3A_89, %ne3A_84 : i1
      %add3A_91 = arith.addi %rem3A_82, %select_n3A_81 : i32
      %select_n3A_92 = arith.select %and3A_90, %add3A_91, %rem3A_82 : i32
      %mul3A_93 = arith.constant 16 : i32
      %mul3A_94 = arith.muli %select_n3A_92, %mul3A_93 : i32
      %swap3A_95 = arith.index_cast %select_n3A : i32 to index
      %swap3A_96 = arith.index_cast %mul3A_94 : i32 to index
      %swap3A_97 = tpu.vector_load %arg7[%swap3A_95, %swap3A_96] {strides = array<i32>} : memref<80x128xf32, #tpu.memory_space<vmem>>, vector<16xf32>,
      tpu.vector_store %arg7[%swap3A_95, %swap3A_96], %broadcast_in_dim3A_3 {strides = array<i32>} : memref<80x128xf32, #tpu.memory_space<vmem>>, vector<16xf32>,
    }
    %scan3A_10 = arith.constant 640 : i32
    %iota3A = tpu.iota {dimensions = array<i32: 0>} : vector<16xi32>
    %add3A_11 = arith.constant 0 : i32
    %add3A_12 = vector.broadcast %add3A_11 : i32 to vector<16xi32>
    %add3A_13 = arith.addi %iota3A, %add3A_12 : vector<16xi32>
    %swap3A = arith.constant 0 : index
    %swap3A_14 = tpu.vector_load %arg5[%swap3A] {strides = array<i32>} : memref<80xi32, #tpu.memory_space<vmem>>, vector<16xi32>,
    tpu.vector_store %arg5[%swap3A], %add3A_13 {strides = array<i32>} : memref<80xi32, #tpu.memory_space<vmem>>, vector<16xi32>,
    %iota3A_15 = tpu.iota {dimensions = array<i32: 0>} : vector<16xi32>
    %add3A_16 = arith.constant 16 : i32
    %add3A_17 = vector.broadcast %add3A_16 : i32 to vector<16xi32>
    %add3A_18 = arith.addi %iota3A_15, %add3A_17 : vector<16xi32>
    %swap3A_19 = arith.constant 16 : index
    %swap3A_20 = tpu.vector_load %arg5[%swap3A_19] {strides = array<i32>} : memref<80xi32, #tpu.memory_space<vmem>>, vector<16xi32>,
    tpu.vector_store %arg5[%swap3A_19], %add3A_18 {strides = array<i32>} : memref<80xi32, #tpu.memory_space<vmem>>, vector<16xi32>,
    %iota3A_21 = tpu.iota {dimensions = array<i32: 0>} : vector<16xi32>
    %add3A_22 = arith.constant 32 : i32
    %add3A_23 = vector.broadcast %add3A_22 : i32 to vector<16xi32>
    %add3A_24 = arith.addi %iota3A_21, %add3A_23 : vector<16xi32>
    %swap3A_25 = arith.constant 32 : index
    %swap3A_26 = tpu.vector_load %arg5[%swap3A_25] {strides = array<i32>} : memref<80xi32, #tpu.memory_space<vmem>>, vector<16xi32>,
    tpu.vector_store %arg5[%swap3A_25], %add3A_24 {strides = array<i32>} : memref<80xi32, #tpu.memory_space<vmem>>, vector<16xi32>,
    %iota3A_27 = tpu.iota {dimensions = array<i32: 0>} : vector<16xi32>
    %add3A_28 = arith.constant 48 : i32
    %add3A_29 = vector.broadcast %add3A_28 : i32 to vector<16xi32>
    %add3A_30 = arith.addi %iota3A_27, %add3A_29 : vector<16xi32>
    %swap3A_31 = arith.constant 48 : index
    %swap3A_32 = tpu.vector_load %arg5[%swap3A_31] {strides = array<i32>} : memref<80xi32, #tpu.memory_space<vmem>>, vector<16xi32>,
    tpu.vector_store %arg5[%swap3A_31], %add3A_30 {strides = array<i32>} : memref<80xi32, #tpu.memory_space<vmem>>, vector<16xi32>,
    %iota3A_33 = tpu.iota {dimensions = array<i32: 0>} : vector<16xi32>
    %add3A_34 = arith.constant 64 : i32
    %add3A_35 = vector.broadcast %add3A_34 : i32 to vector<16xi32>
    %add3A_36 = arith.addi %iota3A_33, %add3A_35 : vector<16xi32>
    %swap3A_37 = arith.constant 64 : index
    %swap3A_38 = tpu.vector_load %arg5[%swap3A_37] {strides = array<i32>} : memref<80xi32, #tpu.memory_space<vmem>>, vector<16xi32>,
    tpu.vector_store %arg5[%swap3A_37], %add3A_36 {strides = array<i32>} : memref<80xi32, #tpu.memory_space<vmem>>, vector<16xi32>,
    %lt3A = arith.constant 5 : i32
    %lt3A_39 = arith.cmpi slt, %arg1, %lt3A : i32
    %convert_element_type3A = arith.extui %lt3A_39 : i1 to i32
    %cond3A = arith.constant 0 : i32
    %cond3A_40 = arith.cmpi ne, %convert_element_type3A, %cond3A : i32
    scf.if %cond3A_40 {
      %scan3A_60 = arith.constant 0 : i32
      %scan3A_61 = arith.constant 0 : i32
      %scan3A_62 = arith.constant 128 : i32
      %scan3A_63 = arith.addi %scan3A_61, %scan3A_62 : i32
      %scan3A_64 = arith.constant 1 : i32
      scf.for %scan3A_68 = %scan3A_61 to %scan3A_63 step %scan3A_64  : i32 {
        %jit3A = arith.constant 8 : i32
        %div3A = arith.divsi %scan3A_68, %jit3A : i32
        %sign3A = arith.constant 0 : i32
        %sign3A_69 = arith.cmpi sgt, %scan3A_68, %sign3A : i32
        %sign3A_70 = arith.extui %sign3A_69 : i1 to i32
        %sign3A_71 = arith.constant 0 : i32
        %sign3A_72 = arith.cmpi slt, %scan3A_68, %sign3A_71 : i32
        %sign3A_73 = arith.extui %sign3A_72 : i1 to i32
        %sign3A_74 = arith.subi %sign3A_70, %sign3A_73 : i32
        %sign3A_75 = arith.constant 0 : i32
        %sign3A_76 = arith.cmpi sgt, %jit3A, %sign3A_75 : i32
        %sign3A_77 = arith.extui %sign3A_76 : i1 to i32
        %sign3A_78 = arith.constant 0 : i32
        %sign3A_79 = arith.cmpi slt, %jit3A, %sign3A_78 : i32
        %sign3A_80 = arith.extui %sign3A_79 : i1 to i32
        %sign3A_81 = arith.subi %sign3A_77, %sign3A_80 : i32
        %ne3A = arith.cmpi ne, %sign3A_74, %sign3A_81 : i32
        %rem3A = arith.remsi %scan3A_68, %jit3A : i32
        %ne3A_82 = arith.constant 0 : i32
        %ne3A_83 = arith.cmpi ne, %rem3A, %ne3A_82 : i32
        %and3A_84 = arith.andi %ne3A, %ne3A_83 : i1
        %sub3A = arith.constant 1 : i32
        %sub3A_85 = arith.subi %div3A, %sub3A : i32
        %select_n3A = arith.select %and3A_84, %sub3A_85, %div3A : i32
        %jit3A_86 = arith.constant 8 : i32
        %eq3A = arith.constant 0 : i32
        %eq3A_87 = arith.cmpi eq, %jit3A_86, %eq3A : i32
        %jit3A_88 = arith.constant 1 : i32
        %select_n3A_89 = arith.select %eq3A_87, %jit3A_88, %jit3A_86 : i32
        %rem3A_90 = arith.remsi %scan3A_68, %select_n3A_89 : i32
        %ne3A_91 = arith.constant 0 : i32
        %ne3A_92 = arith.cmpi ne, %rem3A_90, %ne3A_91 : i32
        %lt3A_93 = arith.constant 0 : i32
        %lt3A_94 = arith.cmpi slt, %rem3A_90, %lt3A_93 : i32
        %lt3A_95 = arith.constant 0 : i32
        %lt3A_96 = arith.cmpi slt, %select_n3A_89, %lt3A_95 : i32
        %ne3A_97 = arith.xori %lt3A_94, %lt3A_96 : i1
        %and3A_98 = arith.andi %ne3A_97, %ne3A_92 : i1
        %add3A_99 = arith.addi %rem3A_90, %select_n3A_89 : i32
        %select_n3A_100 = arith.select %and3A_98, %add3A_99, %rem3A_90 : i32
        %mul3A_101 = arith.constant 16 : i32
        %mul3A_102 = arith.muli %select_n3A_100, %mul3A_101 : i32
        %swap3A_103 = arith.index_cast %select_n3A : i32 to index
        %swap3A_104 = arith.index_cast %mul3A_102 : i32 to index
        %swap3A_105 = tpu.vector_load %arg6[%swap3A_103, %swap3A_104] {strides = array<i32>} : memref<16x128xf32, #tpu.memory_space<vmem>>, vector<16xf32>,
        tpu.vector_store %arg6[%swap3A_103, %swap3A_104], %broadcast_in_dim3A_3 {strides = array<i32>} : memref<16x128xf32, #tpu.memory_space<vmem>>, vector<16xf32>,
      }
      %scan3A_65 = arith.constant 128 : i32
      %mul3A_66 = arith.constant 16 : i32
      %mul3A_67 = arith.muli %arg1, %mul3A_66 : i32
      "tpu.region"() ({
        %run_scoped3A = tpu.sem_alloc : memref<!tpu.dma_semaphore, #tpu.memory_space<semaphore_mem>>
        %dma_start3A = arith.constant 0 : i32
        %dma_start3A_68 = tpu.memref_slice %arg8[%mul3A_67, %dma_start3A] : memref<80x128xf32, #tpu.memory_space<vmem_shared>> -> memref<16x128xf32, #tpu.memory_space<vmem_shared>>
        %dma_start3A_69 = arith.constant 0 : i32
        %dma_start3A_70 = tpu.memref_slice %arg8[%mul3A_67, %dma_start3A_69] : memref<80x128xf32, #tpu.memory_space<vmem_shared>> -> memref<16x128xf32, #tpu.memory_space<vmem_shared>>
        tpu.enqueue_dma source(%arg6 : memref<16x128xf32, #tpu.memory_space<vmem>>) target(%dma_start3A_70 : memref<16x128xf32, #tpu.memory_space<vmem_shared>>) target_semaphore(%run_scoped3A : memref<!tpu.dma_semaphore, #tpu.memory_space<semaphore_mem>>)
        %dma_wait3A = arith.constant 0 : i32
        %dma_wait3A_71 = tpu.memref_slice %arg8[%mul3A_67, %dma_wait3A] : memref<80x128xf32, #tpu.memory_space<vmem_shared>> -> memref<16x128xf32, #tpu.memory_space<vmem_shared>>
        %dma_wait3A_72 = arith.constant 0 : i32
        %dma_wait3A_73 = tpu.memref_slice %arg8[%mul3A_67, %dma_wait3A_72] : memref<80x128xf32, #tpu.memory_space<vmem_shared>> -> memref<16x128xf32, #tpu.memory_space<vmem_shared>>
        tpu.wait_dma2 semaphore(%run_scoped3A : memref<!tpu.dma_semaphore, #tpu.memory_space<semaphore_mem>>) src(%arg6 : memref<16x128xf32, #tpu.memory_space<vmem>>) dst(%dma_wait3A_73 : memref<16x128xf32, #tpu.memory_space<vmem_shared>>)
        tpu.yield
      }) : () -> ()
    } else {
    }
    %barrier3A = arith.constant 0 : index
    tpu.barrier barrier_id(%barrier3A)
    %add3A_41 = arith.constant 320000 : i32
    %add3A_42 = arith.addi %add3A_41, %mul3A_2 : i32
    "tpu.region"() ({
      %run_scoped3A = tpu.sem_alloc : memref<!tpu.dma_semaphore, #tpu.memory_space<semaphore_mem>>
      %dma_start3A = tpu.memref_slice %arg2[%add3A_42] : memref<640000xi32, #tpu.memory_space<hbm>> -> memref<10000xi32, #tpu.memory_space<hbm>>
      %dma_start3A_60 = tpu.memref_slice %arg2[%add3A_42] : memref<640000xi32, #tpu.memory_space<hbm>> -> memref<10000xi32, #tpu.memory_space<hbm>>
      tpu.enqueue_dma source(%dma_start3A_60 : memref<10000xi32, #tpu.memory_space<hbm>>) target(%arg4 : memref<10000xi32, #tpu.memory_space<vmem>>) target_semaphore(%run_scoped3A : memref<!tpu.dma_semaphore, #tpu.memory_space<semaphore_mem>>)
      %dma_wait3A = tpu.memref_slice %arg2[%add3A_42] : memref<640000xi32, #tpu.memory_space<hbm>> -> memref<10000xi32, #tpu.memory_space<hbm>>
      %dma_wait3A_61 = tpu.memref_slice %arg2[%add3A_42] : memref<640000xi32, #tpu.memory_space<hbm>> -> memref<10000xi32, #tpu.memory_space<hbm>>
      tpu.wait_dma2 semaphore(%run_scoped3A : memref<!tpu.dma_semaphore, #tpu.memory_space<semaphore_mem>>) src(%dma_wait3A_61 : memref<10000xi32, #tpu.memory_space<hbm>>) dst(%arg4 : memref<10000xi32, #tpu.memory_space<vmem>>)
      tpu.yield
    }) : () -> ()
    %scan3A_43 = arith.constant 0 : i32
    %scan3A_44 = arith.constant 0 : i32
    %scan3A_45 = arith.constant 156 : i32
    %scan3A_46 = arith.addi %scan3A_44, %scan3A_45 : i32
    %scan3A_47 = arith.constant 1 : i32
    scf.for %scan3A_60 = %scan3A_44 to %scan3A_46 step %scan3A_47  : i32 {
      %mul3A_61 = arith.constant 64 : i32
      %mul3A_62 = arith.muli %scan3A_60, %mul3A_61 : i32
      %add3A_63 = arith.constant 0 : i32
      %add3A_64 = arith.addi %mul3A_62, %add3A_63 : i32
      %get3A_65 = arith.index_cast %add3A_64 : i32 to index
      %get3A_66 = tpu.vector_load %arg4[%get3A_65] {strides = array<i32>} : memref<10000xi32, #tpu.memory_space<vmem>>, vector<16xi32>,
      %shift_right_logical3A_67 = arith.constant 7 : i32
      %shift_right_logical3A_68 = vector.broadcast %shift_right_logical3A_67 : i32 to vector<16xi32>
      %shift_right_logical3A_69 = arith.shrui %get3A_66, %shift_right_logical3A_68 : vector<16xi32>
      %and3A_70 = arith.constant 127 : i32
      %and3A_71 = vector.broadcast %and3A_70 : i32 to vector<16xi32>
      %and3A_72 = arith.andi %get3A_66, %and3A_71 : vector<16xi32>
      tpu.vector_store_idx %arg7[%shift_right_logical3A_69, %and3A_72], %broadcast_in_dim3A_5 {add = true} : memref<80x128xf32, #tpu.memory_space<vmem>>[vector<16xi32>, vector<16xi32>], vector<16xf32>,
      %mul3A_73 = arith.constant 64 : i32
      %mul3A_74 = arith.muli %scan3A_60, %mul3A_73 : i32
      %add3A_75 = arith.constant 16 : i32
      %add3A_76 = arith.addi %mul3A_74, %add3A_75 : i32
      %get3A_77 = arith.index_cast %add3A_76 : i32 to index
      %get3A_78 = tpu.vector_load %arg4[%get3A_77] {strides = array<i32>} : memref<10000xi32, #tpu.memory_space<vmem>>, vector<16xi32>,
      %shift_right_logical3A_79 = arith.constant 7 : i32
      %shift_right_logical3A_80 = vector.broadcast %shift_right_logical3A_79 : i32 to vector<16xi32>
      %shift_right_logical3A_81 = arith.shrui %get3A_78, %shift_right_logical3A_80 : vector<16xi32>
      %and3A_82 = arith.constant 127 : i32
      %and3A_83 = vector.broadcast %and3A_82 : i32 to vector<16xi32>
      %and3A_84 = arith.andi %get3A_78, %and3A_83 : vector<16xi32>
      tpu.vector_store_idx %arg7[%shift_right_logical3A_81, %and3A_84], %broadcast_in_dim3A_5 {add = true} : memref<80x128xf32, #tpu.memory_space<vmem>>[vector<16xi32>, vector<16xi32>], vector<16xf32>,
      %mul3A_85 = arith.constant 64 : i32
      %mul3A_86 = arith.muli %scan3A_60, %mul3A_85 : i32
      %add3A_87 = arith.constant 32 : i32
      %add3A_88 = arith.addi %mul3A_86, %add3A_87 : i32
      %get3A_89 = arith.index_cast %add3A_88 : i32 to index
      %get3A_90 = tpu.vector_load %arg4[%get3A_89] {strides = array<i32>} : memref<10000xi32, #tpu.memory_space<vmem>>, vector<16xi32>,
      %shift_right_logical3A_91 = arith.constant 7 : i32
      %shift_right_logical3A_92 = vector.broadcast %shift_right_logical3A_91 : i32 to vector<16xi32>
      %shift_right_logical3A_93 = arith.shrui %get3A_90, %shift_right_logical3A_92 : vector<16xi32>
      %and3A_94 = arith.constant 127 : i32
      %and3A_95 = vector.broadcast %and3A_94 : i32 to vector<16xi32>
      %and3A_96 = arith.andi %get3A_90, %and3A_95 : vector<16xi32>
      tpu.vector_store_idx %arg7[%shift_right_logical3A_93, %and3A_96], %broadcast_in_dim3A_5 {add = true} : memref<80x128xf32, #tpu.memory_space<vmem>>[vector<16xi32>, vector<16xi32>], vector<16xf32>,
      %mul3A_97 = arith.constant 64 : i32
      %mul3A_98 = arith.muli %scan3A_60, %mul3A_97 : i32
      %add3A_99 = arith.constant 48 : i32
      %add3A_100 = arith.addi %mul3A_98, %add3A_99 : i32
      %get3A_101 = arith.index_cast %add3A_100 : i32 to index
      %get3A_102 = tpu.vector_load %arg4[%get3A_101] {strides = array<i32>} : memref<10000xi32, #tpu.memory_space<vmem>>, vector<16xi32>,
      %shift_right_logical3A_103 = arith.constant 7 : i32
      %shift_right_logical3A_104 = vector.broadcast %shift_right_logical3A_103 : i32 to vector<16xi32>
      %shift_right_logical3A_105 = arith.shrui %get3A_102, %shift_right_logical3A_104 : vector<16xi32>
      %and3A_106 = arith.constant 127 : i32
      %and3A_107 = vector.broadcast %and3A_106 : i32 to vector<16xi32>
      %and3A_108 = arith.andi %get3A_102, %and3A_107 : vector<16xi32>
      tpu.vector_store_idx %arg7[%shift_right_logical3A_105, %and3A_108], %broadcast_in_dim3A_5 {add = true} : memref<80x128xf32, #tpu.memory_space<vmem>>[vector<16xi32>, vector<16xi32>], vector<16xf32>,
    }
    %scan3A_48 = arith.constant 156 : i32
    %get3A = arith.constant 9984 : index
    %get3A_49 = tpu.vector_load %arg4[%get3A] {strides = array<i32>} : memref<10000xi32, #tpu.memory_space<vmem>>, vector<16xi32>,
    %shift_right_logical3A = arith.constant 7 : i32
    %shift_right_logical3A_50 = vector.broadcast %shift_right_logical3A : i32 to vector<16xi32>
    %shift_right_logical3A_51 = arith.shrui %get3A_49, %shift_right_logical3A_50 : vector<16xi32>
    %and3A = arith.constant 127 : i32
    %and3A_52 = vector.broadcast %and3A : i32 to vector<16xi32>
    %and3A_53 = arith.andi %get3A_49, %and3A_52 : vector<16xi32>
    tpu.vector_store_idx %arg7[%shift_right_logical3A_51, %and3A_53], %broadcast_in_dim3A_5 {add = true} : memref<80x128xf32, #tpu.memory_space<vmem>>[vector<16xi32>, vector<16xi32>], vector<16xf32>,
    "tpu.region"() ({
      %run_scoped3A = tpu.sem_alloc : memref<!tpu.dma_semaphore, #tpu.memory_space<semaphore_mem>>
      %dma_start3A = arith.constant 0 : i32
      %dma_start3A_60 = arith.constant 0 : i32
      %dma_start3A_61 = tpu.memref_slice %arg8[%dma_start3A, %dma_start3A_60] : memref<80x128xf32, #tpu.memory_space<vmem_shared>> -> memref<80x128xf32, #tpu.memory_space<vmem_shared>>
      tpu.enqueue_indirect_dma source(%arg7 : memref<80x128xf32, #tpu.memory_space<vmem>>) target(%dma_start3A_61 : memref<80x128xf32, #tpu.memory_space<vmem_shared>>) offsets(%arg5 : memref<80xi32, #tpu.memory_space<vmem>>) semaphore(%run_scoped3A : memref<!tpu.dma_semaphore, #tpu.memory_space<semaphore_mem>>) {add = true}
      %dma_wait3A = arith.constant 0 : i32
      %dma_wait3A_62 = arith.constant 0 : i32
      %dma_wait3A_63 = tpu.memref_slice %arg8[%dma_wait3A, %dma_wait3A_62] : memref<80x128xf32, #tpu.memory_space<vmem_shared>> -> memref<80x128xf32, #tpu.memory_space<vmem_shared>>
      tpu.wait_indirect_dma semaphore(%run_scoped3A : memref<!tpu.dma_semaphore, #tpu.memory_space<semaphore_mem>>) src(%arg7 : memref<80x128xf32, #tpu.memory_space<vmem>>) dst(%dma_wait3A_63 : memref<80x128xf32, #tpu.memory_space<vmem_shared>>)
      tpu.yield
    }) : () -> ()
    %barrier3A_54 = arith.constant 0 : index
    tpu.barrier barrier_id(%barrier3A_54)
    %lt3A_55 = arith.constant 5 : i32
    %lt3A_56 = arith.cmpi slt, %arg1, %lt3A_55 : i32
    %convert_element_type3A_57 = arith.extui %lt3A_56 : i1 to i32
    %cond3A_58 = arith.constant 0 : i32
    %cond3A_59 = arith.cmpi ne, %convert_element_type3A_57, %cond3A_58 : i32
    scf.if %cond3A_59 {
      %mul3A_60 = arith.constant 16 : i32
      %mul3A_61 = arith.muli %arg1, %mul3A_60 : i32
      %mul3A_62 = arith.constant 16 : i32
      %mul3A_63 = arith.muli %arg1, %mul3A_62 : i32
      "tpu.region"() ({
        %run_scoped3A = tpu.sem_alloc : memref<!tpu.dma_semaphore, #tpu.memory_space<semaphore_mem>>
        %dma_start3A = arith.constant 0 : i32
        %dma_start3A_64 = tpu.memref_slice %arg3[%arg0, %mul3A_63, %dma_start3A] : memref<2x80x128xf32, #tpu.memory_space<hbm>> -> memref<1x16x128xf32, #tpu.memory_space<hbm>>
        %dma_start3A_65 = tpu.memref_squeeze %dma_start3A_64 : memref<1x16x128xf32, #tpu.memory_space<hbm>> -> memref<16x128xf32, #tpu.memory_space<hbm>>
        %dma_start3A_66 = arith.constant 0 : i32
        %dma_start3A_67 = tpu.memref_slice %arg8[%mul3A_61, %dma_start3A_66] : memref<80x128xf32, #tpu.memory_space<vmem_shared>> -> memref<16x128xf32, #tpu.memory_space<vmem_shared>>
        tpu.enqueue_dma source(%dma_start3A_67 : memref<16x128xf32, #tpu.memory_space<vmem_shared>>) target(%dma_start3A_65 : memref<16x128xf32, #tpu.memory_space<hbm>>) target_semaphore(%run_scoped3A : memref<!tpu.dma_semaphore, #tpu.memory_space<semaphore_mem>>)
        %dma_wait3A = arith.constant 0 : i32
        %dma_wait3A_68 = tpu.memref_slice %arg3[%arg0, %mul3A_63, %dma_wait3A] : memref<2x80x128xf32, #tpu.memory_space<hbm>> -> memref<1x16x128xf32, #tpu.memory_space<hbm>>
        %dma_wait3A_69 = tpu.memref_squeeze %dma_wait3A_68 : memref<1x16x128xf32, #tpu.memory_space<hbm>> -> memref<16x128xf32, #tpu.memory_space<hbm>>
        %dma_wait3A_70 = arith.constant 0 : i32
        %dma_wait3A_71 = tpu.memref_slice %arg8[%mul3A_61, %dma_wait3A_70] : memref<80x128xf32, #tpu.memory_space<vmem_shared>> -> memref<16x128xf32, #tpu.memory_space<vmem_shared>>
        tpu.wait_dma2 semaphore(%run_scoped3A : memref<!tpu.dma_semaphore, #tpu.memory_space<semaphore_mem>>) src(%dma_wait3A_71 : memref<16x128xf32, #tpu.memory_space<vmem_shared>>) dst(%dma_wait3A_69 : memref<16x128xf32, #tpu.memory_space<hbm>>)
        tpu.yield
      }) : () -> ()
    } else {
    }
    return
  }
}

</mosaic_0001>

<sc_bundles>
// kernel: _sc_deg.3.cloned.1.call-start
scs
__scs_entry_jumppad:
0x0: {  	(pc) =	sbr.rel $0x88, $3  }
0x1: {  	(tag) =	ssettag $0x0;
	lr =	simm.s32 $0x1  }
0x2: {  	[smem:$0x3FA0] =	sst lr;
	_ =	strace $0xD0000000  }
0x3: {  	_ = 	snop  }
0x4: {  	_ = 	snop  }
0x5: {  	_ = 	snop  }
0x6: {  	_ = 	snop  }
0x7: {  	_ = 	snop  }
__scs_overlays_trampoline_lowered:
0x8: {  	[smem:$0x3FAF] =	sst s0  }
0x9: {  	[smem:$0x3FB0] =	sst s1  }
0xa: {  	[smem:$0x3FB1] =	sst s2  }
0xb: {  	[smem:$0x3FB2] =	sst s3  }
0xc: {  	[smem:$0x3FB3] =	sst s4  }
0xd: {  	[smem:$0x3FB4] =	sst s5  }
0xe: {  	[smem:$0x3FB5] =	sst s6  }
0xf: {  	[smem:$0x3FB6] =	sst s7  }
0x10: {  	[smem:$0x3FB7] =	sst s8  }
0x11: {  	[smem:$0x3FB8] =	sst s9;
	s0 =	simm.s32 @!p0 $0x0  }
0x12: {  	s1 =	sld [smem:$0x3F9E];
	s0 =	simm.s32 @p0 $0x1  }
0x13: {  	[smem:$0x3FB9] =	sst s0;
	s0 =	simm.s32 @!p1 $0x0  }
0x14: {  	s2 =	sld [smem:$0x3F9D];
	s0 =	simm.s32 @p1 $0x1  }
0x15: {  	[smem:$0x3FBA] =	sst s0;
	s0 =	simm.s32 @!p2 $0x0  }
0x16: {  	s3 =	sld [smem:$0x3FDB];
	s0 =	simm.s32 @p2 $0x1  }
0x17: {  	s4 =	simm.s32 $0x1BF5;
	[smem:$0x3FBC] =	sst s0  }
0x18: {  	s0 =	sld [smem:$0x3F9F];
	_ =	swait.ge [sflag:s4], $0x0  }
0x19: {  	s7 =	sld [smem:$0x3FA0]  }
0x1a: {  	s8 =	sadd.s32 $0xFFFFE003, lr  }
0x1b: {  	s9 =	sadd.s32 $0xFFFFFEF7, lr;
	s5 =	simm.s32 $0xFFFFFFFF;
	p2 =	slt.u32 s8, $0xFFFFF086  }
0x1c: {  	p1 =	slt.u32 s9, $0xF7A;
	s5 =	simm.s32 @!p2 $0x0  }
0x1d: {  	s5 =	simm.s32 @p1 $0x1;
	p0 =	seq.s32 s7, s2  }
0x1e: {  	s7 =	smul.u32 @!p0 $0xF7A, s2;
	p2 =	seq.s32 @!p0 s5, $0x0  }
0x1f: {  	s9 =	smul.u32 $0xF7A, s1;
	s8 =	simm.s32 @!p0 $0x1BF5;
	p2 =	por !p2, p0  }
0x20: {  	[sflag:s8] =	ssyncset.s32 @!p0 $0xFFFFF086;
	s6 =	sadd.s32 @!p0 s3, s7;
	s7 =	simm.s32 @!p0 $0x108  }
0x21: {  	s3 =	sadd.s32 s3, s9;
	s6 =	sadd.s32 @!p0 $0x88, s6;
	s7 =	simm.s32 @p2 $0x1082  }
0x22: {  	[simem:s7], [sflag:s8] =	dma.local @!p0 [hbm:s6], $0xF7A  }
0x23: {  	s9 =	sor.u32 $0xD0000000, s2;
	s6 =	simm.s32 $0x108;
	_ =	swait.ge @!p0 [sflag:s8], $0x0  }
0x24: {  	s3 =	sadd.s32 $0x88, s3;
	s6 =	simm.s32 @!p1 $0x1082;
	[sflag:s4] =	ssyncset.s32 $0xFFFFF086  }
0x25: {  	[simem:s6], [sflag:s4] =	dma.local [hbm:s3], $0xF7A  }
0x26: {  	[smem:$0x3FA0] =	sst s1;
	(tag) =	ssettag s2;
	_ =	strace s9  }
0x27: {  	s1 =	sld [smem:$0x3FB0]  }
0x28: {  	s2 =	sld [smem:$0x3FB1]  }
0x29: {  	s4 =	sld [smem:$0x3FB3]  }
0x2a: {  	p0 =	seq.s32 s5, $0x0;
	s5 =	sld [smem:$0x3FB4]  }
0x2b: {  	s6 =	sld [smem:$0x3FB5]  }
0x2c: {  	s7 =	sld [smem:$0x3FB6]  }
0x2d: {  	s3 =	simm.s32 $0x108;
	s8 =	sld [smem:$0x3FB7]  }
0x2e: {  	s3 =	simm.s32 @!p0 $0x1082;
	s9 =	sld [smem:$0x3FB8]  }
0x2f: {  	lr =	sadd.s32 s0, s3;
	s0 =	sld [smem:$0x3FAF]  }
0x30: {  	s3 =	sld [smem:$0x3FB2]  }
0x31: {  	[smem:$0x3FBB] =	sst s10  }
0x32: {  	s10 =	sld [smem:$0x3FB9];
	_ =	sdelay $0x3  }
0x33: {  	p0 =	seq.s32 s10, $0x1;
	s10 =	sld [smem:$0x3FBB];
	_ =	sdelay $0x3  }
0x34: {  	[smem:$0x3FBB] =	sst s10  }
0x35: {  	s10 =	sld [smem:$0x3FBA];
	_ =	sdelay $0x3  }
0x36: {  	p1 =	seq.s32 s10, $0x1;
	s10 =	sld [smem:$0x3FBB];
	_ =	sdelay $0x3  }
0x37: {  	[smem:$0x3FBB] =	sst s10  }
0x38: {  	s10 =	sld [smem:$0x3FBC]  }
0x39: {  	_ = 	snop;
	(pc) =	sbr.ind lr, $3  }
0x3a: {  	_ = 	snop  }
0x3b: {  	_ = 	snop  }
0x3c: {  	p2 =	seq.s32 s10, $0x1;
	s10 =	sld [smem:$0x3FBB]  }
0x3d: {  	_ =	shalt  }
0x3e: {  	_ =	shalt  }
0x3f: {  	_ =	shalt  }
0x40: {  	_ =	shalt  }
0x41: {  	_ =	shalt  }
0x42: {  	_ =	shalt  }
0x43: {  	_ =	shalt  }
0x44: {  	_ =	shalt  }
0x45: {  	_ =	shalt  }
0x46: {  	_ =	shalt  }
0x47: {  	_ =	shalt  }
0x48: {  	_ =	shalt  }
0x49: {  	_ =	shalt  }
0x4a: {  	_ =	shalt  }
0x4b: {  	_ =	shalt  }
0x4c: {  	_ =	shalt  }
0x4d: {  	_ =	shalt  }
0x4e: {  	_ =	shalt  }
0x4f: {  	_ =	shalt  }
0x50: {  	_ =	shalt  }
0x51: {  	_ =	shalt  }
0x52: {  	_ =	shalt  }
0x53: {  	_ =	shalt  }
0x54: {  	_ =	shalt  }
0x55: {  	_ =	shalt  }
0x56: {  	_ =	shalt  }
0x57: {  	_ =	shalt  }
0x58: {  	_ =	shalt  }
0x59: {  	_ =	shalt  }
0x5a: {  	_ =	shalt  }
0x5b: {  	_ =	shalt  }
0x5c: {  	_ =	shalt  }
0x5d: {  	_ =	shalt  }
0x5e: {  	_ =	shalt  }
0x5f: {  	_ =	shalt  }
0x60: {  	_ =	shalt  }
0x61: {  	_ =	shalt  }
0x62: {  	_ =	shalt  }
0x63: {  	_ =	shalt  }
0x64: {  	_ =	shalt  }
0x65: {  	_ =	shalt  }
0x66: {  	_ =	shalt  }
0x67: {  	_ =	shalt  }
0x68: {  	_ =	shalt  }
0x69: {  	_ =	shalt  }
0x6a: {  	_ =	shalt  }
0x6b: {  	_ =	shalt  }
0x6c: {  	_ =	shalt  }
0x6d: {  	_ =	shalt  }
0x6e: {  	_ =	shalt  }
0x6f: {  	_ =	shalt  }
0x70: {  	_ =	shalt  }
0x71: {  	_ =	shalt  }
0x72: {  	_ =	shalt  }
0x73: {  	_ =	shalt  }
0x74: {  	_ =	shalt  }
0x75: {  	_ =	shalt  }
0x76: {  	_ =	shalt  }
0x77: {  	_ =	shalt  }
0x78: {  	_ =	shalt  }
0x79: {  	_ =	shalt  }
0x7a: {  	_ =	shalt  }
0x7b: {  	_ =	shalt  }
0x7c: {  	_ =	shalt  }
0x7d: {  	_ =	shalt  }
0x7e: {  	_ =	shalt  }
0x7f: {  	_ =	shalt  }
0x80: {  	_ =	shalt  }
0x81: {  	_ =	shalt  }
0x82: {  	_ =	shalt  }
0x83: {  	_ =	shalt  }
0x84: {  	_ =	shalt  }
0x85: {  	_ =	shalt  }
0x86: {  	_ =	shalt  }
0x87: {  	_ =	shalt  }
.Lfunc_end0:
.L_simem_size_0:
called_computation_lowered:
.L_overlay_start_0:
0x88: {  	s2 =	sld [smem:$0x3FD9]  }
0x89: {  	s3 =	sld [smem:$0x3FFE];
	_ =	sdelay $0x1  }
0x8a: {  	s1 =	srdreg.scid  }
0x8b: {  	s0 =	sand.u32 $0x1, s1  }
0x8c: {  	s18 =	sshll.u32 s0, $0xA;
	s2 =	sadd.s32 s3, s2  }
0x8d: {  	s2 =	sadd.s32 s2, s18  }
0x8e: {  	[smem:$0x3FC7] =	sst s2  }
0x8f: {  	_ = 	snop  }
0x90: {  	s2 =	sld [smem:$0x3FC9]  }
0x91: {  	s19 =	sld [smem:$0x3FD0];
	(tm) =	ssettm $0x1  }
0x92: {  	s4 =	sld [smem:$0x3FFB];
	_ =	sdelay $0x3  }
0x93: {  	_ =	strace s4  }
0x94: {  	s4 =	sld [smem:$0x3FFC];
	_ =	sdelay $0x3  }
0x95: {  	_ =	strace s4  }
0x96: {  	s4 =	sld [smem:$0x3FFD];
	_ =	sdelay $0x3  }
0x97: {  	_ =	strace s4  }
0x98: {  	_ =	strace $0x8FFFFFFF  }
0x99: {  	s20 =	sld [smem:$0x3FDB];
	_ =	sdelay $0x1  }
0x9a: {  	s5 =	simm.s32 $_scs_section_size  }
0x9b: {  	s6 =	simm.s32 $_size__tile_overlayer_lowered;
	s7 =	simm.s32 $_tile_overlayer_lowered  }
0x9c: {  	s23 =	simm.s32 $0x1BFF;
	s22 =	sshll.u32 s7, $0x1;
	s4 =	sadd.s32 s5, s20  }
0x9d: {  	s8 =	simm.s32 $0x0;
	s21 =	sshll.u32 s6, $0x1;
	s6 =	sadd.s32 s22, s4  }
0x9e: {  	[timem:s8], [sflag:s23] =	dma.local [hbm:s6], s21  }
0x9f: {  	_ =	swait.ge [sflag:s23], s21  }
0xa0: {  	s5 =	ssub.s32 $0x0, s21;
	[sflag:s23] =	ssyncset.done $0x0  }
0xa1: {  	[sflag:s23] =	ssyncadd.s32 s5;
	_ =	sdelay $0x1  }
0xa2: {  	s24 =	simm.s32 $0x1B8B  }
0xa3: {  	_ =	swait.ge [sflag:s24], $0x1  }
0xa4: {  	[sflag:s24] =	ssyncset.done $0x0  }
0xa5: {  	s25 =	simm.s32 $0x1B8E;
	[sflag:s24] =	ssyncadd.s32 $0xFFFFFFFF  }
0xa6: {  	s26 =	simm.s32 $execute0_lowered;
	[smem:$0x3FD2] =	sst s25  }
0xa7: {  	s5 =	sshll.u32 s26, $0x1;
	_ =	strace $0x80000046;
	[dreg:$0x1] =	wrdreg $0xFFFFFFFF  }
0xa8: {  	s28 =	simm.s32 $_size_execute0_lowered;
	s4 =	sadd.s32 s4, s5;
	[dreg:$0x0] =	wrdreg $0x0  }
0xa9: {  	s5 =	sshll.u32 s28, $0x1;
	[dreg:$0x2] =	wrdreg s4  }
0xaa: {  	[dreg:$0x3] =	wrdreg s5  }
0xab: {  	[dreg:$0x4] =	wrdreg $0xC0  }
0xac: {  	_ =	task [dreg:s8], $0x5FFFF  }
0xad: {  	[dreg:$0x1] =	wrdreg $0xFFFFFFFF  }
0xae: {  	[dreg:$0x0] =	wrdreg $0x60  }
0xaf: {  	[dreg:$0x2] =	wrdreg s2  }
0xb0: {  	[dreg:$0x3] =	wrdreg s19  }
0xb1: {  	[dreg:$0x4] =	wrdreg $0x58000  }
0xb2: {  	[dreg:$0x5] =	wrdreg $0x9  }
0xb3: {  	_ =	task.clear_ibuf [dreg:s8], $0x6FFFF;
	_ =	strace $0x90000046  }
0xb4: {  	s29 =	simm.s32 $0x9;
	_ =	strace $0x80000048  }
0xb5: {  	_ =	swait.ge [sflag:s29], $0x1  }
0xb6: {  	[sflag:s29] =	ssyncadd.s32 $0xFFFFFFFF  }
0xb7: {  	_ =	strace $0x90000048  }
0xb8: {  	_ =	sfence  }
0xb9: {  	s30 =	sld [smem:$0x0];
	_ =	sdelay $0x2  }
0xba: {  	s31 =	sshll.u32 s1, $0xD;
	s1 =	sshrl.u32 s1, $0x2  }
0xbb: {  	s3 =	sand.u32 $0x4000, s31;
	s1 =	sadd.s32 s1, s30  }
0xbc: {  	s0 =	sor.u32 s3, s0;
	s1 =	sshll.u32 s1, $0x11  }
0xbd: {  	s0 =	sor.u32 s1, s0  }
0xbe: {  	s0 =	sadd.s32 $0x8F2B, s0  }
0xbf: {  	[sflag:s0] =	ssyncadd.remote.s32 $0x1  }
0xc0: {  	_ =	sfence.sel $0xFFFF  }
0xc1: {  	[dreg:$0x0] =	wrdreg $0xFFFFFFFF;
	(pc) =	sbr.abs _section_cstart, $3  }
0xc2: {  	[dreg:$0x1] =	wrdreg $0xFFFFFFFF  }
0xc3: {  	_ =	task.clear_ibuf [dreg:s8], $0x2FFFF;
	_ =	strace $0x9FFFFFFF  }
0xc4: {  	(tm) =	ssettm $0x7FFFFFFF  }
0xc5: {  	_ =	shalt  }
tec
execute0_lowered:
.L_overlay_start_1:
0x0: {  	(tag) =	ssettag $0x1  }
0x1: {  	s4 =	rddreg [dreg:$0x0]  }
0x2: {  	s0 =	srdreg.scid;
	s6 =	rddreg [dreg:$0x1]  }
0x3: {  	s2 =	rddreg [dreg:$0x2];
	s1 =	stileid.u32;
	s3 =	simm.s32 $0x0  }
0x4: {  	s11 =	simm.s32 $0x50;
	s5 =	sand.u32 $0x1, s0;
	s0 =	rddreg [dreg:$0x3]  }
0x5: {  	s12 =	simm.s32 $0x2780;
	s15 =	simm.s32 $0x0;
	[smem:$0x7FF] =	sst s3  }
0x6: {  	s10 =	sshll.u32 s1, $0xB;
	p0 =	sgt.u32 s1, $0x4;
	s7 =	sshll.u32 s5, $0x4  }
0x7: {  	s8 =	ssub.s32 $0x2, s5;
	s5 =	smul.u32 $0x2800, s5;
	s7 =	sor.u32 s1, s7  }
0x8: {  	_ =	strace $0x80000047;
	s13 =	sshll.u32 @!p0 s1, $0x6;
	s7 =	smul.u32 $0x2710, s7  }
0x9: {  	s9 =	sshrl.u32 s8, $0x1;
	s13 =	sor.u32 @!p0 $0x1C01, s13;
	s30 =	sadd.s32 s10, s5  }
0xa: {  	s8 =	ssub.s32 s8, s9;
	s31 =	sshrl.u32 s30, $0x3;
	s7 =	sshrl.u32 s7, $0x3  }
0xb: {  	v0 =	vlaneseq.u32;
	s9 =	simm.s32 $0x1;
	s6 =	sadd.s32 s6, s31;
	s7 =	sadd.s32 s4, s7  }
0xc: {  	v1 =	vimm.f32 $0.0e+00;
	v6 =	vimm.f32 $1.000000000e+00;
	v2 =	vor.u32 $0x10, v0;
	s4 =	sadd.s32 s10, s2;
	s10 =	simm.s32 $0x3000;
	s5 =	sadd.s32 $0x9C40, s7  }
0xd: {  	v3 =	vor.u32 $0x20, v0;
	v4 =	vor.u32 $0x30, v0;
	v5 =	vor.u32 $0x40, v0;
	s7 =	smax.u32 s8, $0x1;
	s8 =	simm.s32 $0x2800;
	s14 =	sshrl.u32 @!p0 s4, $0x3  }
.LBB2_1:
0xe: {  	s16 =	sand.u32 $0xFE00, s3  }
0xf: {  	s17 =	sand.u32 $0x70, s3;
	s18 =	sshrl.u32 s16, $0x2  }
0x10: {  	s16 =	simm.s32 $0x40;
	s18 =	sor.u32 s17, s18;
	s17 =	simm.s32 $0x0  }
.LBB2_2:
0x11: {  	p1 =	sne.s32 s16, $0x9FC0  }
0x12: {  	[tilespmem:s18+$0x3000] =	vst v1;
	s17 =	sadd.s32 $0x10, s17;
	s18 =	smov.u32 s16;
	s16 =	sadd.s32 $0x40, s16  }
.Ltmp0:
0x13: {  	(pc) =	sbr.rel @p1 .LBB2_2-.Ltmp0, $4  }
0x14: {  	_ = 	snop  }
0x15: {  	s18 =	sand.u32 $0xFE00, s18  }
0x16: {  	s19 =	sand.u32 $0x70, s17;
	s18 =	sshrl.u32 s18, $0x2  }
0x17: {  	s18 =	sor.u32 s19, s18  }
0x18: {  	[tilespmem:s18+$0x3000] =	vst v1  }
.Ltmp1:
0x19: {  	[tilespmem:$0x2780] =	vst v0;
	(pc) =	sbr.rel @p0 .LBB2_7-.Ltmp1, $4  }
0x1a: {  	[tilespmem:$0x2790] =	vst v2  }
0x1b: {  	[tilespmem:$0x27A0] =	vst v3  }
0x1c: {  	[tilespmem:$0x27B0] =	vst v4  }
0x1d: {  	s16 =	simm.s32 $0x0;
	[tilespmem:$0x27C0] =	vst v5  }
0x1e: {  	s17 =	sand.u32 $0x1E00, s16  }
0x1f: {  	s18 =	sand.u32 $0x70, s16;
	s19 =	sshrl.u32 s17, $0x2  }
0x20: {  	s17 =	simm.s32 $0x40;
	s18 =	sor.u32 s18, s19  }
.LBB2_5:
0x21: {  	p1 =	sne.s32 s17, $0x1FC0  }
0x22: {  	[tilespmem:s18+$0x2800] =	vst v1;
	s16 =	sadd.s32 $0x10, s16;
	s18 =	smov.u32 s17;
	s17 =	sadd.s32 $0x40, s17  }
.Ltmp2:
0x23: {  	(pc) =	sbr.rel @p1 .LBB2_5-.Ltmp2, $4  }
0x24: {  	_ = 	snop  }
0x25: {  	s18 =	sand.u32 $0x1E00, s18  }
0x26: {  	s19 =	sand.u32 $0x70, s16;
	s18 =	sshrl.u32 s18, $0x2  }
0x27: {  	s18 =	sor.u32 s19, s18  }
0x28: {  	[tilespmem:s18+$0x2800] =	vst v1  }
0x29: {  	[spmem:s4] =	stream.linear.scatter [tilespmem:s8], [sflag:$0x1], $0x800, $0x38;
	[tilespmem:$0x5A80] =	vst v63  }
0x2a: {  	_ =	swait.ge [sflag:s9], $0x800  }
0x2b: {  	[sflag:s9] =	ssyncset.done $0x0  }
0x2c: {  	[sflag:s9] =	ssyncadd.s32 $0xFFFFF800  }
.LBB2_7:
0x2d: {  	[bflag:$0x0] =	sbarrier.arrive $0xFFFF;
	s16 =	simm.s32 $0x0  }
0x2e: {  	[tilespmem:s16], [sflag:$0x1] =	stream.linear.gather [hbm4b:s5+s16], $0x2710, $0x38;
	[tilespmem:$0x5A80] =	vst v63  }
0x2f: {  	_ =	swait.ge [sflag:s9], $0x2710  }
0x30: {  	[sflag:s9] =	ssyncset.done $0x0  }
0x31: {  	[sflag:s9] =	ssyncadd.s32 $0xFFFFD8F0  }
.LBB2_8:
0x32: {  	s17 =	sshra.s32 s16, $0x2  }
0x33: {  	v7 =	vld [tilespmem:s17+$0x0];
	_ =	sdelay $0x7  }
0x34: {  	[tilespmem:v7+s10+$0x0] =	vst.idx.add.f32.msk $0xffff, v6  }
0x35: {  	v7 =	vld [tilespmem:s17+$0x10];
	_ =	sdelay $0x7  }
0x36: {  	[tilespmem:v7+s10+$0x0] =	vst.idx.add.f32.msk $0xffff, v6  }
0x37: {  	v7 =	vld [tilespmem:s17+$0x20];
	_ =	sdelay $0x7  }
0x38: {  	[tilespmem:v7+s10+$0x0] =	vst.idx.add.f32.msk $0xffff, v6  }
0x39: {  	v7 =	vld [tilespmem:s17+$0x30];
	_ =	sdelay $0x2  }
0x3a: {  	p1 =	sne.s32 s16, $0x9B00  }
.Ltmp3:
0x3b: {  	_ = 	snop;
	(pc) =	sbr.rel @p1 .LBB2_8-.Ltmp3, $2  }
0x3c: {  	_ =	sdelay $0x2  }
0x3d: {  	s16 =	sadd.s32 $0x100, s16;
	[tilespmem:v7+s10+$0x0] =	vst.idx.add.f32.msk $0xffff, v6  }
0x3e: {  	v7 =	vld [tilespmem:$0x2700];
	_ =	sdelay $0x7  }
0x3f: {  	[tilespmem:v7+s10+$0x0] =	vst.idx.add.f32.msk $0xffff, v6  }
0x40: {  	[spmem:s2] =	stream.indirect.scatter.add.f32 [tilespmem:s10], [sflag:$0x1], $0x80, s12, s11, $0xb8;
	[tilespmem:$0x5A80] =	vst v63  }
0x41: {  	_ =	swait.ge [sflag:s9], $0x2800  }
0x42: {  	s15 =	sadd.s32 $0x1, s15;
	[sflag:s9] =	ssyncset.done $0x0  }
0x43: {  	p1 =	sne.s32 s15, s7;
	[sflag:s9] =	ssyncadd.s32 $0xFFFFD800  }
.Ltmp4:
0x44: {  	s16 =	simm.s32 @!p0 $0x1;
	[bflag:$0x0] =	sbarrier.arrive $0xFFFF;
	(pc) =	sbr.rel @p1 .LBB2_1-.Ltmp4, $4  }
0x45: {  	[hbm:s6], [sflag:s13] =	dma.local @!p0 [spmem:s14], $0x100  }
0x46: {  	_ =	swait.ge @!p0 [sflag:s16], $0x100  }
0x47: {  	[sflag:s16] =	ssyncset.done @!p0 $0x0  }
0x48: {  	[sflag:s16] =	ssyncadd.s32 @!p0 $0xFFFFFF00  }
0x49: {  	_ =	sfence.sel $0x180000  }
0x4a: {  	[bflag:$0x0] =	sbarrier.arrive $0xFFFF  }
0x4b: {  	p0 =	sne.s32 s1, $0x0;
	_ =	strace $0x90000047  }
0x4c: {  	s0 =	sadd.s32 @!p0 $0x100000, s0;
	[bflag:$0x2] =	sbarrier.arrive $0xFFFF  }
0x4d: {  	[sflag:s0] =	ssyncadd.tile.s32 @!p0 $0x1;
	_ =	shalt  }
.Lfunc_end2:
_tile_overlayer_lowered:
.L_overlay_start_2:
0x4e: {  	(tag) =	ssettag $0x2  }
0x4f: {  	s0 =	rddreg [dreg:$0x0];
	s2 =	stileid.u32  }
0x50: {  	s1 =	rddreg [dreg:$0x1];
	p0 =	sne.s32 s2, $0x0  }
0x51: {  	s3 =	rddreg [dreg:$0x2];
	[bflag:$0x3] =	sbarrier.arrive $0xFFFF;
	s2 =	simm.s32 @!p0 $0x1C01  }
0x52: {  	[timem:s3], [sflag:s2] =	dma.local @!p0 [hbm:s0], s1  }
0x53: {  	s0 =	simm.s32 @!p0 $0x1  }
0x54: {  	_ =	swait.ge @!p0 [sflag:s0], s1  }
0x55: {  	s1 =	ssub.s32 @!p0 $0x0, s1;
	[sflag:s0] =	ssyncset.done @!p0 $0x0  }
0x56: {  	[sflag:s0] =	ssyncadd.s32 @!p0 s1  }
0x57: {  	[bflag:$0x3] =	sbarrier.arrive $0xFFFF  }
0x58: {  	_ =	shalt  }

</sc_bundles>
